<compile_context>
chip_gen: v7x
topology: tpu7x:2x2x1
jax: 0.10.2.dev20260603
libtpu: 0.0.44.dev20260713+nightly
codegen_flags: <defaults>
</compile_context>

<pallas_src>
import functools

import jax
import jax.numpy as jnp
from jax import lax
from jax.experimental import pallas as pl
from jax.experimental.pallas import tpu as pltpu
from jax.experimental.pallas import tpu_sc as plsc

B = 16
L = 4096
PERIOD = 24
HALF = 12
CHUNK = 2048
NVEC = L // 16
INV_W = 1.0 / (2 * HALF + 1)

INV_C0 = 1.0 / 171.0
INV_C1 = 1.0 / 170.0


def _body(x_hbm, out_hbm, xl, cslp, tbuf, dbuf, pmbuf, bins, obuf):
    core = lax.axis_index("c")
    sub = lax.axis_index("s")
    row = core * 8 + sub // 2
    h = sub % 2
    st = h * CHUNK

    iota = lax.iota(jnp.int32, 16)
    zero = jnp.zeros((16,), jnp.float32)

    pltpu.sync_copy(x_hbm.at[pl.ds(row * L, L)], xl)

    bins[pl.ds(0, 16)] = zero
    bins[pl.ds(16, 16)] = zero
    cslp[pl.ds(0, 16)] = zero

    @plsc.parallel_loop(0, NVEC, carry=jnp.float32(0.0))
    def row_total(k, carry):
        chunk = xl[pl.ds(16 * k, 16)]
        cslp[pl.ds(16 + 16 * k, 16)] = plsc.cumsum(chunk) + carry
        return carry + jnp.sum(chunk)

    cslp[pl.ds(16 + L, 16)] = jnp.broadcast_to(row_total, (16,))

    @plsc.parallel_loop(1, NVEC - 1)
    def t_body(k):
        gi = 16 * k + iota
        t = (plsc.load_gather(cslp, [gi + 28])
             - plsc.load_gather(cslp, [gi + 3])) * INV_W
        d = xl[pl.ds(16 * k, 16)] - t
        tbuf[pl.ds(16 * k, 16)] = t
        dbuf[pl.ds(16 * k, 16)] = d
        plsc.addupdate_scatter(bins, [lax.rem(gi, PERIOD)], d)

    for k in (0, NVEC - 1):
        gi = 16 * k + iota
        cnt = (jnp.minimum(gi + (HALF + 1), L)
               - jnp.maximum(gi - HALF, 0)).astype(jnp.float32)
        t = (plsc.load_gather(cslp, [gi + 28])
             - plsc.load_gather(cslp, [gi + 3])) / cnt
        d = xl[pl.ds(16 * k, 16)] - t
        tbuf[pl.ds(16 * k, 16)] = t
        dbuf[pl.ds(16 * k, 16)] = d
        plsc.addupdate_scatter(bins, [lax.rem(gi, PERIOD)], d)

    pmbuf[pl.ds(0, 16)] = bins[pl.ds(0, 16)] * INV_C0
    pmbuf[pl.ds(16, 16)] = bins[pl.ds(16, 16)] * INV_C1

    @plsc.parallel_loop(0, CHUNK // 16)
    def o_body(k):
        gi = st + 16 * k + iota
        t = tbuf[pl.ds(st + 16 * k, 16)]
        d = dbuf[pl.ds(st + 16 * k, 16)]
        sv = plsc.load_gather(pmbuf, [lax.rem(gi, PERIOD)])
        o3 = (16 * k + iota) * 3
        plsc.store_scatter(obuf, [o3], t)
        plsc.store_scatter(obuf, [o3 + 1], sv)
        plsc.store_scatter(obuf, [o3 + 2], d - sv)

    pltpu.sync_copy(obuf, out_hbm.at[pl.ds((row * L + st) * 3, CHUNK * 3)])


_decomp_sc = functools.partial(
    pl.kernel,
    mesh=plsc.VectorSubcoreMesh(core_axis_name="c", subcore_axis_name="s"),
    out_type=jax.ShapeDtypeStruct((B * L * 3,), jnp.float32),
    compiler_params=pltpu.CompilerParams(needs_layout_passes=False),
    scratch_types=[
        pltpu.VMEM((L,), jnp.float32),
        pltpu.VMEM((L + 32,), jnp.float32),
        pltpu.VMEM((L,), jnp.float32),
        pltpu.VMEM((L,), jnp.float32),
        pltpu.VMEM((32,), jnp.float32),
        pltpu.VMEM((32,), jnp.float32),
        pltpu.VMEM((CHUNK * 3,), jnp.float32),
    ],
)(_body)


@jax.jit
def kernel(inputs):
    out = _decomp_sc(inputs.reshape(-1))
    return out.reshape(B, L, 3)

# --- scband reference (transcript-rebuilt; emitter-appended) ---
"""Pipeline reference for scband-seasonal-decomposition-layer-8358006358498 (READ-ONLY COPY).

The authoritative reference and input builder live on the scoring server;
editing this copy changes nothing except your own understanding.
"""

import jax, jax.numpy as jnp
import numpy as np

PERIOD = 24
TREND_WINDOW = 24


def setup_inputs(seed: int = 0) -> dict:
    key = jax.random.key(seed)
    x = jax.random.normal(key, (16, 4096), dtype=jnp.float32)
    return {"inputs": x}


def _decompose(x):
    # x: (B, L) float32
    B, L = x.shape
    half = TREND_WINDOW // 2
    # Centered moving average trend with boundary clipping (matches np loop:
    # trend[i] = mean(x[max(0, i-half):min(L, i+half+1)]))
    cs = jnp.concatenate([jnp.zeros((B, 1), x.dtype), jnp.cumsum(x, axis=1)], axis=1)  # (B, L+1)
    i = jnp.arange(L)
    start = jnp.clip(i - half, 0, L)
    end = jnp.clip(i + half + 1, 0, L)
    sums = jnp.take(cs, end, axis=1) - jnp.take(cs, start, axis=1)  # (B, L)
    counts = (end - start).astype(x.dtype)
    trend = sums / counts[None, :]
    # Additive detrend
    detrended = x - trend
    # Seasonal: average values at same phase (segment reduce over phase ids)
    phase = jnp.mod(i, PERIOD)  # (L,) int
    seg_sums = jax.ops.segment_sum(detrended.T, phase, num_segments=PERIOD)  # (P, B)
    seg_counts = jax.ops.segment_sum(jnp.ones((L,), x.dtype), phase, num_segments=PERIOD)  # (P,)
    phase_means = seg_sums / seg_counts[:, None]  # (P, B)
    seasonal = jnp.take(phase_means, phase, axis=0).T  # (B, L)
    # Additive residual
    residual = x - trend - seasonal
    # stack components along axis=2: (B, L, 3); drop_na=False, keep_original=False
    return jnp.stack([trend, seasonal, residual], axis=2)


def reference(inputs):
    return _decompose(inputs)

if __name__ == "__main__":
    import jax
    _d = setup_inputs()
    print(jax.jit(kernel)(*tuple(_d.values())))

</pallas_src>

<mosaic_0001>
#map = affine_map<(d0, d1) -> (0)>
module attributes {stable_mosaic.version = 14 : i64} {
  func.func @_body(%arg0: i32, %arg1: i32, %arg2: memref<65536xf32, #tpu.memory_space<hbm>>, %arg3: memref<196608xf32, #tpu.memory_space<hbm>>, %arg4: memref<4096xf32, #tpu.memory_space<vmem>>, %arg5: memref<4128xf32, #tpu.memory_space<vmem>>, %arg6: memref<4096xf32, #tpu.memory_space<vmem>>, %arg7: memref<4096xf32, #tpu.memory_space<vmem>>, %arg8: memref<32xf32, #tpu.memory_space<vmem>>, %arg9: memref<32xf32, #tpu.memory_space<vmem>>, %arg10: memref<6144xf32, #tpu.memory_space<vmem>>) attributes {dimension_semantics = [#tpu.dimension_semantics<core_parallel>, #tpu.dimension_semantics<subcore_parallel>], iteration_bounds = array<i64: 2, 16>, scalar_prefetch = 0 : i64, scratch_operands = 7 : i64, tpu.core_type = #tpu.core_type<sc_vector_subcore>, window_params = [{transform_indices = #map}, {transform_indices = #map}]} {
    %mul3A = arith.constant 8 : i32
    %mul3A_0 = arith.muli %arg0, %mul3A : i32
    %jit3A = arith.constant 2 : i32
    %div3A = arith.divsi %arg1, %jit3A : i32
    %sign3A = arith.constant 0 : i32
    %sign3A_1 = arith.cmpi sgt, %arg1, %sign3A : i32
    %sign3A_2 = arith.extui %sign3A_1 : i1 to i32
    %sign3A_3 = arith.constant 0 : i32
    %sign3A_4 = arith.cmpi slt, %arg1, %sign3A_3 : i32
    %sign3A_5 = arith.extui %sign3A_4 : i1 to i32
    %sign3A_6 = arith.subi %sign3A_2, %sign3A_5 : i32
    %sign3A_7 = arith.constant 0 : i32
    %sign3A_8 = arith.cmpi sgt, %jit3A, %sign3A_7 : i32
    %sign3A_9 = arith.extui %sign3A_8 : i1 to i32
    %sign3A_10 = arith.constant 0 : i32
    %sign3A_11 = arith.cmpi slt, %jit3A, %sign3A_10 : i32
    %sign3A_12 = arith.extui %sign3A_11 : i1 to i32
    %sign3A_13 = arith.subi %sign3A_9, %sign3A_12 : i32
    %ne3A = arith.cmpi ne, %sign3A_6, %sign3A_13 : i32
    %rem3A = arith.remsi %arg1, %jit3A : i32
    %ne3A_14 = arith.constant 0 : i32
    %ne3A_15 = arith.cmpi ne, %rem3A, %ne3A_14 : i32
    %and3A = arith.andi %ne3A, %ne3A_15 : i1
    %sub3A = arith.constant 1 : i32
    %sub3A_16 = arith.subi %div3A, %sub3A : i32
    %select_n3A = arith.select %and3A, %sub3A_16, %div3A : i32
    %add3A = arith.addi %mul3A_0, %select_n3A : i32
    %jit3A_17 = arith.constant 2 : i32
    %eq3A = arith.constant 0 : i32
    %eq3A_18 = arith.cmpi eq, %jit3A_17, %eq3A : i32
    %jit3A_19 = arith.constant 1 : i32
    %select_n3A_20 = arith.select %eq3A_18, %jit3A_19, %jit3A_17 : i32
    %rem3A_21 = arith.remsi %arg1, %select_n3A_20 : i32
    %ne3A_22 = arith.constant 0 : i32
    %ne3A_23 = arith.cmpi ne, %rem3A_21, %ne3A_22 : i32
    %lt3A = arith.constant 0 : i32
    %lt3A_24 = arith.cmpi slt, %rem3A_21, %lt3A : i32
    %lt3A_25 = arith.constant 0 : i32
    %lt3A_26 = arith.cmpi slt, %select_n3A_20, %lt3A_25 : i32
    %ne3A_27 = arith.xori %lt3A_24, %lt3A_26 : i1
    %and3A_28 = arith.andi %ne3A_27, %ne3A_23 : i1
    %add3A_29 = arith.addi %rem3A_21, %select_n3A_20 : i32
    %select_n3A_30 = arith.select %and3A_28, %add3A_29, %rem3A_21 : i32
    %mul3A_31 = arith.constant 2048 : i32
    %mul3A_32 = arith.muli %select_n3A_30, %mul3A_31 : i32
    %iota3A = tpu.iota {dimensions = array<i32: 0>} : vector<16xi32>
    %broadcast_in_dim3A = arith.constant 0.000000e+00 : f32
    %broadcast_in_dim3A_33 = vector.broadcast %broadcast_in_dim3A : f32 to vector<16xf32>
    %mul3A_34 = arith.constant 4096 : i32
    %mul3A_35 = arith.muli %add3A, %mul3A_34 : i32
    "tpu.region"() ({
      %run_scoped3A = tpu.sem_alloc : memref<!tpu.dma_semaphore, #tpu.memory_space<semaphore_mem>>
      %dma_start3A = tpu.memref_slice %arg2[%mul3A_35] : memref<65536xf32, #tpu.memory_space<hbm>> -> memref<4096xf32, #tpu.memory_space<hbm>>
      %dma_start3A_142 = tpu.memref_slice %arg2[%mul3A_35] : memref<65536xf32, #tpu.memory_space<hbm>> -> memref<4096xf32, #tpu.memory_space<hbm>>
      tpu.enqueue_dma source(%dma_start3A_142 : memref<4096xf32, #tpu.memory_space<hbm>>) target(%arg4 : memref<4096xf32, #tpu.memory_space<vmem>>) target_semaphore(%run_scoped3A : memref<!tpu.dma_semaphore, #tpu.memory_space<semaphore_mem>>)
      %dma_wait3A = tpu.memref_slice %arg2[%mul3A_35] : memref<65536xf32, #tpu.memory_space<hbm>> -> memref<4096xf32, #tpu.memory_space<hbm>>
      %dma_wait3A_143 = tpu.memref_slice %arg2[%mul3A_35] : memref<65536xf32, #tpu.memory_space<hbm>> -> memref<4096xf32, #tpu.memory_space<hbm>>
      tpu.wait_dma2 semaphore(%run_scoped3A : memref<!tpu.dma_semaphore, #tpu.memory_space<semaphore_mem>>) src(%dma_wait3A_143 : memref<4096xf32, #tpu.memory_space<hbm>>) dst(%arg4 : memref<4096xf32, #tpu.memory_space<vmem>>)
      tpu.yield
    }) : () -> ()
    %swap3A = arith.constant 0 : index
    %swap3A_36 = tpu.vector_load %arg9[%swap3A] {strides = array<i32>} : memref<32xf32, #tpu.memory_space<vmem>>, vector<16xf32>,
    tpu.vector_store %arg9[%swap3A], %broadcast_in_dim3A_33 {strides = array<i32>} : memref<32xf32, #tpu.memory_space<vmem>>, vector<16xf32>,
    %swap3A_37 = arith.constant 16 : index
    %swap3A_38 = tpu.vector_load %arg9[%swap3A_37] {strides = array<i32>} : memref<32xf32, #tpu.memory_space<vmem>>, vector<16xf32>,
    tpu.vector_store %arg9[%swap3A_37], %broadcast_in_dim3A_33 {strides = array<i32>} : memref<32xf32, #tpu.memory_space<vmem>>, vector<16xf32>,
    %swap3A_39 = arith.constant 0 : index
    %swap3A_40 = tpu.vector_load %arg5[%swap3A_39] {strides = array<i32>} : memref<4128xf32, #tpu.memory_space<vmem>>, vector<16xf32>,
    tpu.vector_store %arg5[%swap3A_39], %broadcast_in_dim3A_33 {strides = array<i32>} : memref<4128xf32, #tpu.memory_space<vmem>>, vector<16xf32>,
    %parallel_loop3A = arith.constant 0 : i32
    %parallel_loop3A_41 = arith.constant 256 : i32
    %parallel_loop3A_42 = arith.constant 1 : i32
    %parallel_loop3A_43 = arith.constant 0.000000e+00 : f32
    %parallel_loop3A_44 = scf.for %parallel_loop3A_142 = %parallel_loop3A to %parallel_loop3A_41 step %parallel_loop3A_42 iter_args(%parallel_loop3A_143 = %parallel_loop3A_43) -> (f32)  : i32 {
      %parallel_loop3A_144 = arith.constant 16 : i32
      %parallel_loop3A_145 = arith.muli %parallel_loop3A_144, %parallel_loop3A_142 : i32
      %parallel_loop3A_146 = arith.index_cast %parallel_loop3A_145 : i32 to index
      %parallel_loop3A_147 = tpu.vector_load %arg4[%parallel_loop3A_146] {strides = array<i32>} : memref<4096xf32, #tpu.memory_space<vmem>>, vector<16xf32>,
      %parallel_loop3A_148 = arith.constant true
      %parallel_loop3A_149 = vector.broadcast %parallel_loop3A_148 : i1 to vector<16xi1>
      %parallel_loop3A_150 = tpu.scan <sum>, %parallel_loop3A_147 masked %parallel_loop3A_149 : vector<16xf32>, vector<16xi1> -> vector<16xf32>
      %parallel_loop3A_151 = vector.broadcast %parallel_loop3A_143 : f32 to vector<16xf32>
      %parallel_loop3A_152 = arith.addf %parallel_loop3A_150, %parallel_loop3A_151 : vector<16xf32>
      %parallel_loop3A_153 = arith.constant 16 : i32
      %parallel_loop3A_154 = arith.muli %parallel_loop3A_153, %parallel_loop3A_142 : i32
      %parallel_loop3A_155 = arith.constant 16 : i32
      %parallel_loop3A_156 = arith.addi %parallel_loop3A_155, %parallel_loop3A_154 : i32
      %parallel_loop3A_157 = arith.index_cast %parallel_loop3A_156 : i32 to index
      %parallel_loop3A_158 = tpu.vector_load %arg5[%parallel_loop3A_157] {strides = array<i32>} : memref<4128xf32, #tpu.memory_space<vmem>>, vector<16xf32>,
      tpu.vector_store %arg5[%parallel_loop3A_157], %parallel_loop3A_152 {strides = array<i32>} : memref<4128xf32, #tpu.memory_space<vmem>>, vector<16xf32>,
      %parallel_loop3A_159 = arith.constant true
      %parallel_loop3A_160 = vector.broadcast %parallel_loop3A_159 : i1 to vector<16xi1>
      %parallel_loop3A_161 = tpu.scan <sum>, %parallel_loop3A_147 masked %parallel_loop3A_160 : vector<16xf32>, vector<16xi1> -> vector<16xf32>
      %parallel_loop3A_162 = vector.extract %parallel_loop3A_161[15] : f32 from vector<16xf32>
      %parallel_loop3A_163 = arith.addf %parallel_loop3A_143, %parallel_loop3A_162 : f32
      scf.yield %parallel_loop3A_163 : f32
    } {sc.loop_unroll_factor = 1 : i64, sc.parallel_access}
    %broadcast_in_dim3A_45 = vector.broadcast %parallel_loop3A_44 : f32 to vector<16xf32>
    %swap3A_46 = arith.constant 4112 : index
    %swap3A_47 = tpu.vector_load %arg5[%swap3A_46] {strides = array<i32>} : memref<4128xf32, #tpu.memory_space<vmem>>, vector<16xf32>,
    tpu.vector_store %arg5[%swap3A_46], %broadcast_in_dim3A_45 {strides = array<i32>} : memref<4128xf32, #tpu.memory_space<vmem>>, vector<16xf32>,
    %parallel_loop3A_48 = arith.constant 1 : i32
    %parallel_loop3A_49 = arith.constant 255 : i32
    %parallel_loop3A_50 = arith.constant 1 : i32
    scf.for %parallel_loop3A_142 = %parallel_loop3A_48 to %parallel_loop3A_49 step %parallel_loop3A_50  : i32 {
      %parallel_loop3A_143 = arith.constant 16 : i32
      %parallel_loop3A_144 = arith.muli %parallel_loop3A_143, %parallel_loop3A_142 : i32
      %parallel_loop3A_145 = vector.broadcast %parallel_loop3A_144 : i32 to vector<16xi32>
      %parallel_loop3A_146 = arith.addi %parallel_loop3A_145, %iota3A : vector<16xi32>
      %parallel_loop3A_147 = arith.constant 28 : i32
      %parallel_loop3A_148 = vector.broadcast %parallel_loop3A_147 : i32 to vector<16xi32>
      %parallel_loop3A_149 = arith.addi %parallel_loop3A_146, %parallel_loop3A_148 : vector<16xi32>
      %parallel_loop3A_150 = tpu.vector_load_idx %arg5[%parallel_loop3A_149] : memref<4128xf32, #tpu.memory_space<vmem>>[vector<16xi32>], vector<16xf32>,
      %parallel_loop3A_151 = arith.constant 3 : i32
      %parallel_loop3A_152 = vector.broadcast %parallel_loop3A_151 : i32 to vector<16xi32>
      %parallel_loop3A_153 = arith.addi %parallel_loop3A_146, %parallel_loop3A_152 : vector<16xi32>
      %parallel_loop3A_154 = tpu.vector_load_idx %arg5[%parallel_loop3A_153] : memref<4128xf32, #tpu.memory_space<vmem>>[vector<16xi32>], vector<16xf32>,
      %parallel_loop3A_155 = arith.subf %parallel_loop3A_150, %parallel_loop3A_154 : vector<16xf32>
      %parallel_loop3A_156 = arith.constant 4.000000e-02 : f32
      %parallel_loop3A_157 = vector.broadcast %parallel_loop3A_156 : f32 to vector<16xf32>
      %parallel_loop3A_158 = arith.mulf %parallel_loop3A_155, %parallel_loop3A_157 : vector<16xf32>
      %parallel_loop3A_159 = arith.constant 16 : i32
      %parallel_loop3A_160 = arith.muli %parallel_loop3A_159, %parallel_loop3A_142 : i32
      %parallel_loop3A_161 = arith.index_cast %parallel_loop3A_160 : i32 to index
      %parallel_loop3A_162 = tpu.vector_load %arg4[%parallel_loop3A_161] {strides = array<i32>} : memref<4096xf32, #tpu.memory_space<vmem>>, vector<16xf32>,
      %parallel_loop3A_163 = arith.subf %parallel_loop3A_162, %parallel_loop3A_158 : vector<16xf32>
      %parallel_loop3A_164 = arith.constant 16 : i32
      %parallel_loop3A_165 = arith.muli %parallel_loop3A_164, %parallel_loop3A_142 : i32
      %parallel_loop3A_166 = arith.index_cast %parallel_loop3A_165 : i32 to index
      %parallel_loop3A_167 = tpu.vector_load %arg6[%parallel_loop3A_166] {strides = array<i32>} : memref<4096xf32, #tpu.memory_space<vmem>>, vector<16xf32>,
      tpu.vector_store %arg6[%parallel_loop3A_166], %parallel_loop3A_158 {strides = array<i32>} : memref<4096xf32, #tpu.memory_space<vmem>>, vector<16xf32>,
      %parallel_loop3A_168 = arith.constant 16 : i32
      %parallel_loop3A_169 = arith.muli %parallel_loop3A_168, %parallel_loop3A_142 : i32
      %parallel_loop3A_170 = arith.index_cast %parallel_loop3A_169 : i32 to index
      %parallel_loop3A_171 = tpu.vector_load %arg7[%parallel_loop3A_170] {strides = array<i32>} : memref<4096xf32, #tpu.memory_space<vmem>>, vector<16xf32>,
      tpu.vector_store %arg7[%parallel_loop3A_170], %parallel_loop3A_163 {strides = array<i32>} : memref<4096xf32, #tpu.memory_space<vmem>>, vector<16xf32>,
      %parallel_loop3A_172 = arith.constant 24 : i32
      %parallel_loop3A_173 = vector.broadcast %parallel_loop3A_172 : i32 to vector<16xi32>
      %parallel_loop3A_174 = arith.remsi %parallel_loop3A_146, %parallel_loop3A_173 : vector<16xi32>
      tpu.vector_store_idx %arg9[%parallel_loop3A_174], %parallel_loop3A_163 {add = true} : memref<32xf32, #tpu.memory_space<vmem>>[vector<16xi32>], vector<16xf32>,
    } {sc.loop_unroll_factor = 1 : i64, sc.parallel_access}
    %add3A_51 = arith.constant 0 : i32
    %add3A_52 = vector.broadcast %add3A_51 : i32 to vector<16xi32>
    %add3A_53 = arith.addi %add3A_52, %iota3A : vector<16xi32>
    %add3A_54 = arith.constant 13 : i32
    %add3A_55 = vector.broadcast %add3A_54 : i32 to vector<16xi32>
    %add3A_56 = arith.addi %add3A_53, %add3A_55 : vector<16xi32>
    %min3A = arith.constant 4096 : i32
    %min3A_57 = vector.broadcast %min3A : i32 to vector<16xi32>
    %min3A_58 = arith.minsi %add3A_56, %min3A_57 : vector<16xi32>
    %sub3A_59 = arith.constant 12 : i32
    %sub3A_60 = vector.broadcast %sub3A_59 : i32 to vector<16xi32>
    %sub3A_61 = arith.subi %add3A_53, %sub3A_60 : vector<16xi32>
    %max3A = arith.constant 0 : i32
    %max3A_62 = vector.broadcast %max3A : i32 to vector<16xi32>
    %max3A_63 = arith.maxsi %sub3A_61, %max3A_62 : vector<16xi32>
    %sub3A_64 = arith.subi %min3A_58, %max3A_63 : vector<16xi32>
    %convert_element_type3A = arith.sitofp %sub3A_64 : vector<16xi32> to vector<16xf32>
    %add3A_65 = arith.constant 28 : i32
    %add3A_66 = vector.broadcast %add3A_65 : i32 to vector<16xi32>
    %add3A_67 = arith.addi %add3A_53, %add3A_66 : vector<16xi32>
    %gather3A = tpu.vector_load_idx %arg5[%add3A_67] : memref<4128xf32, #tpu.memory_space<vmem>>[vector<16xi32>], vector<16xf32>,
    %add3A_68 = arith.constant 3 : i32
    %add3A_69 = vector.broadcast %add3A_68 : i32 to vector<16xi32>
    %add3A_70 = arith.addi %add3A_53, %add3A_69 : vector<16xi32>
    %gather3A_71 = tpu.vector_load_idx %arg5[%add3A_70] : memref<4128xf32, #tpu.memory_space<vmem>>[vector<16xi32>], vector<16xf32>,
    %sub3A_72 = arith.subf %gather3A, %gather3A_71 : vector<16xf32>
    %div3A_73 = arith.divf %sub3A_72, %convert_element_type3A : vector<16xf32>
    %get3A = arith.constant 0 : index
    %get3A_74 = tpu.vector_load %arg4[%get3A] {strides = array<i32>} : memref<4096xf32, #tpu.memory_space<vmem>>, vector<16xf32>,
    %sub3A_75 = arith.subf %get3A_74, %div3A_73 : vector<16xf32>
    %swap3A_76 = arith.constant 0 : index
    %swap3A_77 = tpu.vector_load %arg6[%swap3A_76] {strides = array<i32>} : memref<4096xf32, #tpu.memory_space<vmem>>, vector<16xf32>,
    tpu.vector_store %arg6[%swap3A_76], %div3A_73 {strides = array<i32>} : memref<4096xf32, #tpu.memory_space<vmem>>, vector<16xf32>,
    %swap3A_78 = arith.constant 0 : index
    %swap3A_79 = tpu.vector_load %arg7[%swap3A_78] {strides = array<i32>} : memref<4096xf32, #tpu.memory_space<vmem>>, vector<16xf32>,
    tpu.vector_store %arg7[%swap3A_78], %sub3A_75 {strides = array<i32>} : memref<4096xf32, #tpu.memory_space<vmem>>, vector<16xf32>,
    %rem3A_80 = arith.constant 24 : i32
    %rem3A_81 = vector.broadcast %rem3A_80 : i32 to vector<16xi32>
    %rem3A_82 = arith.remsi %add3A_53, %rem3A_81 : vector<16xi32>
    tpu.vector_store_idx %arg9[%rem3A_82], %sub3A_75 {add = true} : memref<32xf32, #tpu.memory_space<vmem>>[vector<16xi32>], vector<16xf32>,
    %add3A_83 = arith.constant 4080 : i32
    %add3A_84 = vector.broadcast %add3A_83 : i32 to vector<16xi32>
    %add3A_85 = arith.addi %add3A_84, %iota3A : vector<16xi32>
    %add3A_86 = arith.constant 13 : i32
    %add3A_87 = vector.broadcast %add3A_86 : i32 to vector<16xi32>
    %add3A_88 = arith.addi %add3A_85, %add3A_87 : vector<16xi32>
    %min3A_89 = arith.constant 4096 : i32
    %min3A_90 = vector.broadcast %min3A_89 : i32 to vector<16xi32>
    %min3A_91 = arith.minsi %add3A_88, %min3A_90 : vector<16xi32>
    %sub3A_92 = arith.constant 12 : i32
    %sub3A_93 = vector.broadcast %sub3A_92 : i32 to vector<16xi32>
    %sub3A_94 = arith.subi %add3A_85, %sub3A_93 : vector<16xi32>
    %max3A_95 = arith.constant 0 : i32
    %max3A_96 = vector.broadcast %max3A_95 : i32 to vector<16xi32>
    %max3A_97 = arith.maxsi %sub3A_94, %max3A_96 : vector<16xi32>
    %sub3A_98 = arith.subi %min3A_91, %max3A_97 : vector<16xi32>
    %convert_element_type3A_99 = arith.sitofp %sub3A_98 : vector<16xi32> to vector<16xf32>
    %add3A_100 = arith.constant 28 : i32
    %add3A_101 = vector.broadcast %add3A_100 : i32 to vector<16xi32>
    %add3A_102 = arith.addi %add3A_85, %add3A_101 : vector<16xi32>
    %gather3A_103 = tpu.vector_load_idx %arg5[%add3A_102] : memref<4128xf32, #tpu.memory_space<vmem>>[vector<16xi32>], vector<16xf32>,
    %add3A_104 = arith.constant 3 : i32
    %add3A_105 = vector.broadcast %add3A_104 : i32 to vector<16xi32>
    %add3A_106 = arith.addi %add3A_85, %add3A_105 : vector<16xi32>
    %gather3A_107 = tpu.vector_load_idx %arg5[%add3A_106] : memref<4128xf32, #tpu.memory_space<vmem>>[vector<16xi32>], vector<16xf32>,
    %sub3A_108 = arith.subf %gather3A_103, %gather3A_107 : vector<16xf32>
    %div3A_109 = arith.divf %sub3A_108, %convert_element_type3A_99 : vector<16xf32>
    %get3A_110 = arith.constant 4080 : index
    %get3A_111 = tpu.vector_load %arg4[%get3A_110] {strides = array<i32>} : memref<4096xf32, #tpu.memory_space<vmem>>, vector<16xf32>,
    %sub3A_112 = arith.subf %get3A_111, %div3A_109 : vector<16xf32>
    %swap3A_113 = arith.constant 4080 : index
    %swap3A_114 = tpu.vector_load %arg6[%swap3A_113] {strides = array<i32>} : memref<4096xf32, #tpu.memory_space<vmem>>, vector<16xf32>,
    tpu.vector_store %arg6[%swap3A_113], %div3A_109 {strides = array<i32>} : memref<4096xf32, #tpu.memory_space<vmem>>, vector<16xf32>,
    %swap3A_115 = arith.constant 4080 : index
    %swap3A_116 = tpu.vector_load %arg7[%swap3A_115] {strides = array<i32>} : memref<4096xf32, #tpu.memory_space<vmem>>, vector<16xf32>,
    tpu.vector_store %arg7[%swap3A_115], %sub3A_112 {strides = array<i32>} : memref<4096xf32, #tpu.memory_space<vmem>>, vector<16xf32>,
    %rem3A_117 = arith.constant 24 : i32
    %rem3A_118 = vector.broadcast %rem3A_117 : i32 to vector<16xi32>
    %rem3A_119 = arith.remsi %add3A_85, %rem3A_118 : vector<16xi32>
    tpu.vector_store_idx %arg9[%rem3A_119], %sub3A_112 {add = true} : memref<32xf32, #tpu.memory_space<vmem>>[vector<16xi32>], vector<16xf32>,
    %get3A_120 = arith.constant 0 : index
    %get3A_121 = tpu.vector_load %arg9[%get3A_120] {strides = array<i32>} : memref<32xf32, #tpu.memory_space<vmem>>, vector<16xf32>,
    %mul3A_122 = arith.constant 0.00584795326 : f32
    %mul3A_123 = vector.broadcast %mul3A_122 : f32 to vector<16xf32>
    %mul3A_124 = arith.mulf %get3A_121, %mul3A_123 : vector<16xf32>
    %swap3A_125 = arith.constant 0 : index
    %swap3A_126 = tpu.vector_load %arg8[%swap3A_125] {strides = array<i32>} : memref<32xf32, #tpu.memory_space<vmem>>, vector<16xf32>,
    tpu.vector_store %arg8[%swap3A_125], %mul3A_124 {strides = array<i32>} : memref<32xf32, #tpu.memory_space<vmem>>, vector<16xf32>,
    %get3A_127 = arith.constant 16 : index
    %get3A_128 = tpu.vector_load %arg9[%get3A_127] {strides = array<i32>} : memref<32xf32, #tpu.memory_space<vmem>>, vector<16xf32>,
    %mul3A_129 = arith.constant 0.00588235306 : f32
    %mul3A_130 = vector.broadcast %mul3A_129 : f32 to vector<16xf32>
    %mul3A_131 = arith.mulf %get3A_128, %mul3A_130 : vector<16xf32>
    %swap3A_132 = arith.constant 16 : index
    %swap3A_133 = tpu.vector_load %arg8[%swap3A_132] {strides = array<i32>} : memref<32xf32, #tpu.memory_space<vmem>>, vector<16xf32>,
    tpu.vector_store %arg8[%swap3A_132], %mul3A_131 {strides = array<i32>} : memref<32xf32, #tpu.memory_space<vmem>>, vector<16xf32>,
    %parallel_loop3A_134 = arith.constant 0 : i32
    %parallel_loop3A_135 = arith.constant 128 : i32
    %parallel_loop3A_136 = arith.constant 1 : i32
    scf.for %parallel_loop3A_142 = %parallel_loop3A_134 to %parallel_loop3A_135 step %parallel_loop3A_136  : i32 {
      %parallel_loop3A_143 = arith.constant 16 : i32
      %parallel_loop3A_144 = arith.muli %parallel_loop3A_143, %parallel_loop3A_142 : i32
      %parallel_loop3A_145 = arith.addi %mul3A_32, %parallel_loop3A_144 : i32
      %parallel_loop3A_146 = vector.broadcast %parallel_loop3A_145 : i32 to vector<16xi32>
      %parallel_loop3A_147 = arith.addi %parallel_loop3A_146, %iota3A : vector<16xi32>
      %parallel_loop3A_148 = arith.constant 16 : i32
      %parallel_loop3A_149 = arith.muli %parallel_loop3A_148, %parallel_loop3A_142 : i32
      %parallel_loop3A_150 = arith.addi %mul3A_32, %parallel_loop3A_149 : i32
      %parallel_loop3A_151 = arith.index_cast %parallel_loop3A_150 : i32 to index
      %parallel_loop3A_152 = tpu.vector_load %arg6[%parallel_loop3A_151] {strides = array<i32>} : memref<4096xf32, #tpu.memory_space<vmem>>, vector<16xf32>,
      %parallel_loop3A_153 = arith.constant 16 : i32
      %parallel_loop3A_154 = arith.muli %parallel_loop3A_153, %parallel_loop3A_142 : i32
      %parallel_loop3A_155 = arith.addi %mul3A_32, %parallel_loop3A_154 : i32
      %parallel_loop3A_156 = arith.index_cast %parallel_loop3A_155 : i32 to index
      %parallel_loop3A_157 = tpu.vector_load %arg7[%parallel_loop3A_156] {strides = array<i32>} : memref<4096xf32, #tpu.memory_space<vmem>>, vector<16xf32>,
      %parallel_loop3A_158 = arith.constant 24 : i32
      %parallel_loop3A_159 = vector.broadcast %parallel_loop3A_158 : i32 to vector<16xi32>
      %parallel_loop3A_160 = arith.remsi %parallel_loop3A_147, %parallel_loop3A_159 : vector<16xi32>
      %parallel_loop3A_161 = tpu.vector_load_idx %arg8[%parallel_loop3A_160] : memref<32xf32, #tpu.memory_space<vmem>>[vector<16xi32>], vector<16xf32>,
      %parallel_loop3A_162 = arith.constant 16 : i32
      %parallel_loop3A_163 = arith.muli %parallel_loop3A_162, %parallel_loop3A_142 : i32
      %parallel_loop3A_164 = vector.broadcast %parallel_loop3A_163 : i32 to vector<16xi32>
      %parallel_loop3A_165 = arith.addi %parallel_loop3A_164, %iota3A : vector<16xi32>
      %parallel_loop3A_166 = arith.constant 3 : i32
      %parallel_loop3A_167 = vector.broadcast %parallel_loop3A_166 : i32 to vector<16xi32>
      %parallel_loop3A_168 = arith.muli %parallel_loop3A_165, %parallel_loop3A_167 : vector<16xi32>
      tpu.vector_store_idx %arg10[%parallel_loop3A_168], %parallel_loop3A_152 : memref<6144xf32, #tpu.memory_space<vmem>>[vector<16xi32>], vector<16xf32>,
      %parallel_loop3A_169 = arith.constant 1 : i32
      %parallel_loop3A_170 = vector.broadcast %parallel_loop3A_169 : i32 to vector<16xi32>
      %parallel_loop3A_171 = arith.addi %parallel_loop3A_168, %parallel_loop3A_170 : vector<16xi32>
      tpu.vector_store_idx %arg10[%parallel_loop3A_171], %parallel_loop3A_161 : memref<6144xf32, #tpu.memory_space<vmem>>[vector<16xi32>], vector<16xf32>,
      %parallel_loop3A_172 = arith.constant 2 : i32
      %parallel_loop3A_173 = vector.broadcast %parallel_loop3A_172 : i32 to vector<16xi32>
      %parallel_loop3A_174 = arith.addi %parallel_loop3A_168, %parallel_loop3A_173 : vector<16xi32>
      %parallel_loop3A_175 = arith.subf %parallel_loop3A_157, %parallel_loop3A_161 : vector<16xf32>
      tpu.vector_store_idx %arg10[%parallel_loop3A_174], %parallel_loop3A_175 : memref<6144xf32, #tpu.memory_space<vmem>>[vector<16xi32>], vector<16xf32>,
    } {sc.loop_unroll_factor = 1 : i64, sc.parallel_access}
    %mul3A_137 = arith.constant 4096 : i32
    %mul3A_138 = arith.muli %add3A, %mul3A_137 : i32
    %add3A_139 = arith.addi %mul3A_138, %mul3A_32 : i32
    %mul3A_140 = arith.constant 3 : i32
    %mul3A_141 = arith.muli %add3A_139, %mul3A_140 : i32
    "tpu.region"() ({
      %run_scoped3A = tpu.sem_alloc : memref<!tpu.dma_semaphore, #tpu.memory_space<semaphore_mem>>
      %dma_start3A = tpu.memref_slice %arg3[%mul3A_141] : memref<196608xf32, #tpu.memory_space<hbm>> -> memref<6144xf32, #tpu.memory_space<hbm>>
      %dma_start3A_142 = tpu.memref_slice %arg3[%mul3A_141] : memref<196608xf32, #tpu.memory_space<hbm>> -> memref<6144xf32, #tpu.memory_space<hbm>>
      tpu.enqueue_dma source(%arg10 : memref<6144xf32, #tpu.memory_space<vmem>>) target(%dma_start3A_142 : memref<6144xf32, #tpu.memory_space<hbm>>) target_semaphore(%run_scoped3A : memref<!tpu.dma_semaphore, #tpu.memory_space<semaphore_mem>>)
      %dma_wait3A = tpu.memref_slice %arg3[%mul3A_141] : memref<196608xf32, #tpu.memory_space<hbm>> -> memref<6144xf32, #tpu.memory_space<hbm>>
      %dma_wait3A_143 = tpu.memref_slice %arg3[%mul3A_141] : memref<196608xf32, #tpu.memory_space<hbm>> -> memref<6144xf32, #tpu.memory_space<hbm>>
      tpu.wait_dma2 semaphore(%run_scoped3A : memref<!tpu.dma_semaphore, #tpu.memory_space<semaphore_mem>>) src(%arg10 : memref<6144xf32, #tpu.memory_space<vmem>>) dst(%dma_wait3A_143 : memref<6144xf32, #tpu.memory_space<hbm>>)
      tpu.yield
    }) : () -> ()
    return
  }
}

</mosaic_0001>

<sc_bundles>
// kernel: kernel.3.cloned.1.call-start
scs
__scs_entry_jumppad:
0x0: {  	(pc) =	sbr.rel $0x88, $3  }
0x1: {  	(tag) =	ssettag $0x0;
	lr =	simm.s32 $0x1  }
0x2: {  	[smem:$0x3FA0] =	sst lr;
	_ =	strace $0xD0000000  }
0x3: {  	_ = 	snop  }
0x4: {  	_ = 	snop  }
0x5: {  	_ = 	snop  }
0x6: {  	_ = 	snop  }
0x7: {  	_ = 	snop  }
__scs_overlays_trampoline_lowered:
0x8: {  	[smem:$0x3FAF] =	sst s0  }
0x9: {  	[smem:$0x3FB0] =	sst s1  }
0xa: {  	[smem:$0x3FB1] =	sst s2  }
0xb: {  	[smem:$0x3FB2] =	sst s3  }
0xc: {  	[smem:$0x3FB3] =	sst s4  }
0xd: {  	[smem:$0x3FB4] =	sst s5  }
0xe: {  	[smem:$0x3FB5] =	sst s6  }
0xf: {  	[smem:$0x3FB6] =	sst s7  }
0x10: {  	[smem:$0x3FB7] =	sst s8  }
0x11: {  	[smem:$0x3FB8] =	sst s9;
	s0 =	simm.s32 @!p0 $0x0  }
0x12: {  	s1 =	sld [smem:$0x3F9E];
	s0 =	simm.s32 @p0 $0x1  }
0x13: {  	[smem:$0x3FB9] =	sst s0;
	s0 =	simm.s32 @!p1 $0x0  }
0x14: {  	s2 =	sld [smem:$0x3F9D];
	s0 =	simm.s32 @p1 $0x1  }
0x15: {  	[smem:$0x3FBA] =	sst s0;
	s0 =	simm.s32 @!p2 $0x0  }
0x16: {  	s3 =	sld [smem:$0x3FDB];
	s0 =	simm.s32 @p2 $0x1  }
0x17: {  	s4 =	simm.s32 $0x1BF5;
	[smem:$0x3FBC] =	sst s0  }
0x18: {  	s0 =	sld [smem:$0x3F9F];
	_ =	swait.ge [sflag:s4], $0x0  }
0x19: {  	s7 =	sld [smem:$0x3FA0]  }
0x1a: {  	s8 =	sadd.s32 $0xFFFFE003, lr  }
0x1b: {  	s9 =	sadd.s32 $0xFFFFFEF7, lr;
	s5 =	simm.s32 $0xFFFFFFFF;
	p2 =	slt.u32 s8, $0xFFFFF086  }
0x1c: {  	p1 =	slt.u32 s9, $0xF7A;
	s5 =	simm.s32 @!p2 $0x0  }
0x1d: {  	s5 =	simm.s32 @p1 $0x1;
	p0 =	seq.s32 s7, s2  }
0x1e: {  	s7 =	smul.u32 @!p0 $0xF7A, s2;
	p2 =	seq.s32 @!p0 s5, $0x0  }
0x1f: {  	s9 =	smul.u32 $0xF7A, s1;
	s8 =	simm.s32 @!p0 $0x1BF5;
	p2 =	por !p2, p0  }
0x20: {  	[sflag:s8] =	ssyncset.s32 @!p0 $0xFFFFF086;
	s6 =	sadd.s32 @!p0 s3, s7;
	s7 =	simm.s32 @!p0 $0x108  }
0x21: {  	s3 =	sadd.s32 s3, s9;
	s6 =	sadd.s32 @!p0 $0x88, s6;
	s7 =	simm.s32 @p2 $0x1082  }
0x22: {  	[simem:s7], [sflag:s8] =	dma.local @!p0 [hbm:s6], $0xF7A  }
0x23: {  	s9 =	sor.u32 $0xD0000000, s2;
	s6 =	simm.s32 $0x108;
	_ =	swait.ge @!p0 [sflag:s8], $0x0  }
0x24: {  	s3 =	sadd.s32 $0x88, s3;
	s6 =	simm.s32 @!p1 $0x1082;
	[sflag:s4] =	ssyncset.s32 $0xFFFFF086  }
0x25: {  	[simem:s6], [sflag:s4] =	dma.local [hbm:s3], $0xF7A  }
0x26: {  	[smem:$0x3FA0] =	sst s1;
	(tag) =	ssettag s2;
	_ =	strace s9  }
0x27: {  	s1 =	sld [smem:$0x3FB0]  }
0x28: {  	s2 =	sld [smem:$0x3FB1]  }
0x29: {  	s4 =	sld [smem:$0x3FB3]  }
0x2a: {  	p0 =	seq.s32 s5, $0x0;
	s5 =	sld [smem:$0x3FB4]  }
0x2b: {  	s6 =	sld [smem:$0x3FB5]  }
0x2c: {  	s7 =	sld [smem:$0x3FB6]  }
0x2d: {  	s3 =	simm.s32 $0x108;
	s8 =	sld [smem:$0x3FB7]  }
0x2e: {  	s3 =	simm.s32 @!p0 $0x1082;
	s9 =	sld [smem:$0x3FB8]  }
0x2f: {  	lr =	sadd.s32 s0, s3;
	s0 =	sld [smem:$0x3FAF]  }
0x30: {  	s3 =	sld [smem:$0x3FB2]  }
0x31: {  	[smem:$0x3FBB] =	sst s10  }
0x32: {  	s10 =	sld [smem:$0x3FB9];
	_ =	sdelay $0x3  }
0x33: {  	p0 =	seq.s32 s10, $0x1;
	s10 =	sld [smem:$0x3FBB];
	_ =	sdelay $0x3  }
0x34: {  	[smem:$0x3FBB] =	sst s10  }
0x35: {  	s10 =	sld [smem:$0x3FBA];
	_ =	sdelay $0x3  }
0x36: {  	p1 =	seq.s32 s10, $0x1;
	s10 =	sld [smem:$0x3FBB];
	_ =	sdelay $0x3  }
0x37: {  	[smem:$0x3FBB] =	sst s10  }
0x38: {  	s10 =	sld [smem:$0x3FBC]  }
0x39: {  	_ = 	snop;
	(pc) =	sbr.ind lr, $3  }
0x3a: {  	_ = 	snop  }
0x3b: {  	_ = 	snop  }
0x3c: {  	p2 =	seq.s32 s10, $0x1;
	s10 =	sld [smem:$0x3FBB]  }
0x3d: {  	_ =	shalt  }
0x3e: {  	_ =	shalt  }
0x3f: {  	_ =	shalt  }
0x40: {  	_ =	shalt  }
0x41: {  	_ =	shalt  }
0x42: {  	_ =	shalt  }
0x43: {  	_ =	shalt  }
0x44: {  	_ =	shalt  }
0x45: {  	_ =	shalt  }
0x46: {  	_ =	shalt  }
0x47: {  	_ =	shalt  }
0x48: {  	_ =	shalt  }
0x49: {  	_ =	shalt  }
0x4a: {  	_ =	shalt  }
0x4b: {  	_ =	shalt  }
0x4c: {  	_ =	shalt  }
0x4d: {  	_ =	shalt  }
0x4e: {  	_ =	shalt  }
0x4f: {  	_ =	shalt  }
0x50: {  	_ =	shalt  }
0x51: {  	_ =	shalt  }
0x52: {  	_ =	shalt  }
0x53: {  	_ =	shalt  }
0x54: {  	_ =	shalt  }
0x55: {  	_ =	shalt  }
0x56: {  	_ =	shalt  }
0x57: {  	_ =	shalt  }
0x58: {  	_ =	shalt  }
0x59: {  	_ =	shalt  }
0x5a: {  	_ =	shalt  }
0x5b: {  	_ =	shalt  }
0x5c: {  	_ =	shalt  }
0x5d: {  	_ =	shalt  }
0x5e: {  	_ =	shalt  }
0x5f: {  	_ =	shalt  }
0x60: {  	_ =	shalt  }
0x61: {  	_ =	shalt  }
0x62: {  	_ =	shalt  }
0x63: {  	_ =	shalt  }
0x64: {  	_ =	shalt  }
0x65: {  	_ =	shalt  }
0x66: {  	_ =	shalt  }
0x67: {  	_ =	shalt  }
0x68: {  	_ =	shalt  }
0x69: {  	_ =	shalt  }
0x6a: {  	_ =	shalt  }
0x6b: {  	_ =	shalt  }
0x6c: {  	_ =	shalt  }
0x6d: {  	_ =	shalt  }
0x6e: {  	_ =	shalt  }
0x6f: {  	_ =	shalt  }
0x70: {  	_ =	shalt  }
0x71: {  	_ =	shalt  }
0x72: {  	_ =	shalt  }
0x73: {  	_ =	shalt  }
0x74: {  	_ =	shalt  }
0x75: {  	_ =	shalt  }
0x76: {  	_ =	shalt  }
0x77: {  	_ =	shalt  }
0x78: {  	_ =	shalt  }
0x79: {  	_ =	shalt  }
0x7a: {  	_ =	shalt  }
0x7b: {  	_ =	shalt  }
0x7c: {  	_ =	shalt  }
0x7d: {  	_ =	shalt  }
0x7e: {  	_ =	shalt  }
0x7f: {  	_ =	shalt  }
0x80: {  	_ =	shalt  }
0x81: {  	_ =	shalt  }
0x82: {  	_ =	shalt  }
0x83: {  	_ =	shalt  }
0x84: {  	_ =	shalt  }
0x85: {  	_ =	shalt  }
0x86: {  	_ =	shalt  }
0x87: {  	_ =	shalt  }
.Lfunc_end0:
.L_simem_size_0:
called_computation_lowered:
.L_overlay_start_0:
0x88: {  	s2 =	sld [smem:$0x3FD9]  }
0x89: {  	s3 =	sld [smem:$0x3FFE];
	_ =	sdelay $0x1  }
0x8a: {  	s1 =	srdreg.scid  }
0x8b: {  	s0 =	sand.u32 $0x1, s1  }
0x8c: {  	s17 =	sshll.u32 s0, $0xA;
	s2 =	sadd.s32 s3, s2  }
0x8d: {  	s2 =	sadd.s32 s2, s17  }
0x8e: {  	[smem:$0x3FC7] =	sst s2  }
0x8f: {  	_ = 	snop  }
0x90: {  	s2 =	sld [smem:$0x3FD0];
	(tm) =	ssettm $0x1  }
0x91: {  	s18 =	sld [smem:$0x3FFB];
	_ =	sdelay $0x3  }
0x92: {  	_ =	strace s18  }
0x93: {  	s3 =	sld [smem:$0x3FFC];
	_ =	sdelay $0x3  }
0x94: {  	_ =	strace s3  }
0x95: {  	s3 =	sld [smem:$0x3FFD];
	_ =	sdelay $0x3  }
0x96: {  	_ =	strace s3  }
0x97: {  	_ =	strace $0x8FFFFFFF  }
0x98: {  	s19 =	sld [smem:$0x3FDB];
	_ =	sdelay $0x1  }
0x99: {  	s4 =	simm.s32 $_scs_section_size  }
0x9a: {  	s5 =	simm.s32 $_size__tile_overlayer_lowered;
	s6 =	simm.s32 $_tile_overlayer_lowered  }
0x9b: {  	s22 =	simm.s32 $0x1BFF;
	s21 =	sshll.u32 s6, $0x1;
	s3 =	sadd.s32 s4, s19  }
0x9c: {  	s7 =	simm.s32 $0x0;
	s20 =	sshll.u32 s5, $0x1;
	s5 =	sadd.s32 s21, s3  }
0x9d: {  	[timem:s7], [sflag:s22] =	dma.local [hbm:s5], s20  }
0x9e: {  	_ =	swait.ge [sflag:s22], s20  }
0x9f: {  	s4 =	ssub.s32 $0x0, s20;
	[sflag:s22] =	ssyncset.done $0x0  }
0xa0: {  	[sflag:s22] =	ssyncadd.s32 s4;
	_ =	sdelay $0x1  }
0xa1: {  	s23 =	simm.s32 $0x1B8B  }
0xa2: {  	_ =	swait.ge [sflag:s23], $0x1  }
0xa3: {  	[sflag:s23] =	ssyncset.done $0x0  }
0xa4: {  	s25 =	simm.s32 $0x1B8E;
	s24 =	sld [smem:$0x3FFE];
	[sflag:s23] =	ssyncadd.s32 $0xFFFFFFFF  }
0xa5: {  	s26 =	simm.s32 $execute0_lowered;
	[smem:$0x3FD2] =	sst s25  }
0xa6: {  	s5 =	sshll.u32 s26, $0x1;
	_ =	strace $0x80000046;
	[dreg:$0x1] =	wrdreg $0xFFFFFFFF  }
0xa7: {  	s28 =	simm.s32 $_size_execute0_lowered;
	s3 =	sadd.s32 s3, s5;
	[dreg:$0x0] =	wrdreg $0x0  }
0xa8: {  	s5 =	sshll.u32 s28, $0x1;
	[dreg:$0x2] =	wrdreg s3  }
0xa9: {  	[dreg:$0x3] =	wrdreg s5  }
0xaa: {  	[dreg:$0x4] =	wrdreg $0xC0  }
0xab: {  	_ =	task [dreg:s7], $0x5FFFF  }
0xac: {  	[dreg:$0x1] =	wrdreg $0xFFFFFFFF  }
0xad: {  	[dreg:$0x0] =	wrdreg $0x60  }
0xae: {  	[dreg:$0x2] =	wrdreg s24  }
0xaf: {  	[dreg:$0x3] =	wrdreg s2  }
0xb0: {  	[dreg:$0x4] =	wrdreg $0x9  }
0xb1: {  	_ =	task.clear_ibuf [dreg:s7], $0x5FFFF;
	_ =	strace $0x90000046  }
0xb2: {  	s29 =	simm.s32 $0x9;
	_ =	strace $0x80000048  }
0xb3: {  	_ =	swait.ge [sflag:s29], $0x1  }
0xb4: {  	[sflag:s29] =	ssyncadd.s32 $0xFFFFFFFF  }
0xb5: {  	_ =	strace $0x90000048  }
0xb6: {  	_ =	sfence  }
0xb7: {  	s30 =	sld [smem:$0x0];
	_ =	sdelay $0x2  }
0xb8: {  	s31 =	sshll.u32 s1, $0xD;
	s1 =	sshrl.u32 s1, $0x2  }
0xb9: {  	s3 =	sand.u32 $0x4000, s31;
	s1 =	sadd.s32 s1, s30  }
0xba: {  	s0 =	sor.u32 s3, s0;
	s1 =	sshll.u32 s1, $0x11  }
0xbb: {  	s0 =	sor.u32 s1, s0  }
0xbc: {  	s0 =	sadd.s32 $0x8F2B, s0  }
0xbd: {  	[sflag:s0] =	ssyncadd.remote.s32 $0x1  }
0xbe: {  	_ =	sfence.sel $0xFFFF  }
0xbf: {  	[dreg:$0x0] =	wrdreg $0xFFFFFFFF;
	(pc) =	sbr.abs _section_cstart, $3  }
0xc0: {  	[dreg:$0x1] =	wrdreg $0xFFFFFFFF  }
0xc1: {  	_ =	task.clear_ibuf [dreg:s7], $0x2FFFF;
	_ =	strace $0x9FFFFFFF  }
0xc2: {  	(tm) =	ssettm $0x7FFFFFFF  }
0xc3: {  	_ =	shalt  }
tec
execute0_lowered:
.L_overlay_start_1:
0x0: {  	(tag) =	ssettag $0x1  }
0x1: {  	vm0 =	vcmask $0x300;
	v0 =	vimm.f32 $2.500000000e+01  }
0x2: {  	vm15 =	vcmask $0x704;
	vm4 =	vcmask $0xB08;
	v1 =	vimm.f32 $1.300000000e+01  }
0x3: {  	vm1 =	vcmask $0xF00;
	vm5 =	vcmask $0x1310;
	v0 =	vsel vm0, $0x41500000, v0  }
0x4: {  	vm6 =	vcmask $0xF0C;
	v1 =	vsel vm1, $0x41C80000, v1;
	v0 =	vsel vm15, $0x41600000, v0  }
0x5: {  	vm2 =	vcmask $0x1714;
	v1 =	vsel vm5, $0x41C00000, v1;
	v0 =	vsel vm4, $0x41700000, v0  }
0x6: {  	vm7 =	vcmask $0x1B18;
	v1 =	vsel vm2, $0x41B80000, v1;
	v0 =	vsel vm6, $0x41800000, v0  }
0x7: {  	vm8 =	vcmask $0x1F1C;
	v1 =	vsel vm7, $0x41B00000, v1;
	v0 =	vsel vm5, $0x41880000, v0  }
0x8: {  	vm9 =	vcmask $0x2320;
	v1 =	vsel vm8, $0x41A80000, v1;
	v0 =	vsel vm2, $0x41900000, v0  }
0x9: {  	vm10 =	vcmask $0x2724;
	v1 =	vsel vm9, $0x41A00000, v1;
	v0 =	vsel vm7, $0x41980000, v0  }
0xa: {  	vm11 =	vcmask $0x2B28;
	v1 =	vsel vm10, $0x41980000, v1;
	v0 =	vsel vm8, $0x41A00000, v0  }
0xb: {  	s4 =	rddreg [dreg:$0x0];
	vm12 =	vcmask $0x2F2C;
	v1 =	vsel vm11, $0x41900000, v1;
	v0 =	vsel vm9, $0x41A80000, v0  }
0xc: {  	s5 =	rddreg [dreg:$0x1];
	s1 =	simm.s32 $0x0;
	vm13 =	vcmask $0x3330;
	v1 =	vsel vm12, $0x41880000, v1;
	v0 =	vsel vm10, $0x41B00000, v0  }
0xd: {  	vm14 =	vcmask $0x3734;
	[smem:$0x7FF] =	sst s1;
	v1 =	vsel vm13, $0x41800000, v1;
	v0 =	vsel vm11, $0x41B80000, v0  }
0xe: {  	s0 =	rddreg [dreg:$0x2];
	_ =	strace $0x80000047;
	vm15 =	vcmask $0x3B38;
	v1 =	vsel vm14, $0x41700000, v1;
	v0 =	vsel vm12, $0x41C00000, v0  }
0xf: {  	(erf) = vrcp.f32 v0;
	v0 =	vsel vm15, $0x41600000, v1  }
0x10: {  	s3 =	srdreg.scid;
	s2 =	stileid.u32;
	(erf) = vrcp.f32 v0  }
0x11: {  	s9 =	simm.s32 $0x1;
	s10 =	simm.s32 $0x1000;
	s11 =	simm.s32 $0x4100  }
0x12: {  	s12 =	simm.s32 $0x4080;
	s6 =	sand.u32 $0x1, s3;
	s28 =	sshll.u32 s2, $0xB  }
0x13: {  	s13 =	simm.s32 $0x4180;
	s7 =	sshll.u32 s6, $0xF;
	s8 =	sand.u32 $0x7000, s28  }
0x14: {  	s3 =	sand.u32 $0x800, s28;
	s6 =	ssub.s32 $0x2, s6;
	s7 =	sor.u32 s7, s8  }
0x15: {  	s14 =	simm.s32 $0x0;
	s29 =	sshrl.u32 s6, $0x1;
	s8 =	sor.u32 s3, s7  }
0x16: {  	s7 =	sshrl.u32 s7, $0x3;
	s6 =	ssub.s32 s6, s29;
	s8 =	smul.u32 $0x3, s8;
	v0 =	vlaneseq.u32  }
0x17: {  	s31 =	sand.u32 $0x1, s2;
	s4 =	sadd.s32 s7, s4;
	s6 =	smax.u32 s6, $0x1;
	v1 =	vimm.f32 $0.0e+00;
	v2 =	vmul.u32 $0x3, v0  }
0x18: {  	s4 =	sadd.s32 $0x400, s4;
	s30 =	sshrl.u32 s8, $0x3;
	s8 =	sshll.u32 s31, $0xB;
	v4 =	vadd.s32 $0x1C, v0;
	v5 =	vadd.s32 $0x3, v0;
	v6 =	vadd.s32 $0x100C, v0;
	v3 =	vpop (erf)  }
0x19: {  	s5 =	sadd.s32 s5, s30;
	s7 =	sor.u32 $0x2080, s8;
	s8 =	sor.u32 $0x3080, s8;
	v8 =	vadd.s32 $0xFF3, v0;
	v9 =	vadd.s32 $0x1, v2;
	v10 =	vadd.s32 $0x2, v2;
	v7 =	vpop (erf)  }
.LBB2_1:
0x1a: {  	[tilespmem:s1], [sflag:$0x1] =	stream.linear.gather [hbm4b:s4+s1], $0x1000, $0x38;
	[tilespmem:$0x5980] =	vst v63  }
0x1b: {  	_ =	swait.ge [sflag:s9], $0x1000  }
0x1c: {  	[sflag:s9] =	ssyncset.done $0x0  }
0x1d: {  	[sflag:s9] =	ssyncadd.s32 $0xFFFFF000  }
0x1e: {  	[tilespmem:$0x4100] =	vst v1  }
0x1f: {  	[tilespmem:$0x4110] =	vst v1  }
0x20: {  	s18 =	simm.s32 $0x0;
	[tilespmem:$0x1000] =	vst v1  }
0x21: {  	v11 =	vld [tilespmem:s18+$0x0]  }
0x22: {  	s16 =	simm.s32 $0x10  }
0x23: {  	s17 =	simm.s32 $0x20;
	v12 =	vld [tilespmem:s16+$0x0]  }
0x24: {  	v13 =	vld [tilespmem:s17+$0x0];
	_ =	sdelay $0x1  }
0x25: {  	(xrf2) =	vadd.scan.msk.f32 $0xffff, v11;
	_ =	sdelay $0x1  }
0x26: {  	(xrf2) =	vadd.scan.msk.f32 $0xffff, v12  }
0x27: {  	(xrf2) =	vadd.scan.msk.f32 $0xffff, v13;
	_ =	sdelay $0x6  }
0x28: {  	v14, _, _ =	vpop (xrf2)  }
0x29: {  	(v2sf) =	vpush v14, $0xF  }
0x2a: {  	s15 =	simm.s32 $0x30;
	v11, _, _ =	vpop (xrf2)  }
0x2b: {  	v13 =	vld [tilespmem:s15+$0x0];
	(v2sf) =	vpush v11, $0xF;
	v12, _, _ =	vpop (xrf2)  }
0x2c: {  	(v2sf) =	vpush v12, $0xF;
	_ =	sdelay $0x3  }
0x2d: {  	s19 =	simm.s32 $0x40;
	(xrf2) =	vadd.scan.msk.f32 $0xffff, v13  }
0x2e: {  	v13 =	vld [tilespmem:s19+$0x0];
	_ =	sdelay $0x2  }
0x2f: {  	s20 =	simm.f32 $0.0e+00  }
0x30: {  	s21 =	simm.s32 $0x140;
	v14 =	vadd.f32 s20, v14  }
.LBB2_2:
0x31: {  	s22 =	sshra.s32 s21, $0x2;
	p0 =	sne.s32 s21, $0x3FC0;
	s21 =	sadd.s32 $0x40, s21;
	(xrf2) =	vadd.scan.msk.f32 $0xffff, v13  }
.Ltmp0:
0x32: {  	v13 =	vld [tilespmem:s22+$0x0];
	[tilespmem:s18+$0x1010] =	vst v14;
	s18 =	smov.u32 s16;
	s16 =	smov.u32 s17;
	(pc) =	sbr.rel @p0 .LBB2_2-.Ltmp0, $4  }
0x33: {  	s17 =	smov.u32 s15;
	s15 =	smov.u32 s19;
	s23 =	spop (v2sf)  }
0x34: {  	s19 =	smov.u32 s22;
	s20 =	sadd.f32 s23, s20  }
0x35: {  	v15, _, _ =	vpop (xrf2)  }
0x36: {  	(v2sf) =	vpush v15, $0xF;
	v14 =	vadd.f32 s20, v11;
	v11 =	vmovc v12;
	v12 =	vmov v15  }
0x37: {  	(xrf2) =	vadd.scan.msk.f32 $0xffff, v13;
	_ =	sdelay $0x7  }
0x38: {  	v13, _, _ =	vpop (xrf2)  }
0x39: {  	(v2sf) =	vpush v13, $0xF  }
0x3a: {  	v15, _, _ =	vpop (xrf2)  }
0x3b: {  	(v2sf) =	vpush v15, $0xF;
	_ =	sdelay $0x6  }
0x3c: {  	s21 =	spop (v2sf)  }
0x3d: {  	s20 =	sadd.f32 s21, s20  }
0x3e: {  	s26 =	spop (v2sf)  }
0x3f: {  	s21 =	sadd.f32 s26, s20  }
0x40: {  	s22 =	spop (v2sf)  }
0x41: {  	s22 =	sadd.f32 s22, s21  }
0x42: {  	v11 =	vadd.f32 s20, v11;
	s28 =	spop (v2sf)  }
0x43: {  	s30 =	simm.s32 $0x10;
	[tilespmem:s18+$0x1010] =	vst v14;
	v12 =	vadd.f32 s21, v12;
	s29 =	sadd.f32 s28, s22  }
0x44: {  	[tilespmem:s16+$0x1010] =	vst v11;
	v11 =	vadd.f32 s22, v13;
	v13 =	vadd.s32 s30, v4;
	s31 =	spop (v2sf)  }
0x45: {  	v14 =	vadd.s32 s30, v5;
	[tilespmem:s17+$0x1010] =	vst v12;
	v12 =	vadd.f32 s29, v15;
	s16 =	sadd.f32 s31, s29  }
0x46: {  	[tilespmem:s15+$0x1010] =	vst v11  }
0x47: {  	[tilespmem:s19+$0x1010] =	vst v12;
	v11 =	vmov s16  }
0x48: {  	[tilespmem:$0x2010] =	vst v11  }
0x49: {  	s15 =	simm.s32 $0x20;
	v11 =	vld.idx.msk [tilespmem:v13+s10+$0x0], $0xffff  }
0x4a: {  	v12 =	vld.idx.msk [tilespmem:v14+s10+$0x0], $0xffff;
	v13 =	vadd.s32 s15, v4  }
0x4b: {  	v15 =	vor.u32 s30, v0;
	v14 =	vadd.s32 s15, v5  }
0x4c: {  	v16 =	vmulhi.u32 $0xAAAAAAAB, v15;
	_ =	sdelay $0x1  }
0x4d: {  	s18 =	simm.s32 $0x30;
	v16 =	vshrl.u32 v16, $0x4;
	v19 =	vld [tilespmem:s30+$0x0]  }
0x4e: {  	v20 =	vadd.s32 s18, v4;
	v11 =	vsub.f32 v11, v12;
	v18 =	vld.idx.msk [tilespmem:v13+s10+$0x0], $0xffff;
	v13 =	vmul.u32 $0x18, v16  }
0x4f: {  	v17 =	vadd.s32 s18, v5;
	v14 =	vld.idx.msk [tilespmem:v14+s10+$0x0], $0xffff  }
0x50: {  	v12 =	vor.u32 s15, v0;
	v21 =	vmul.f32 $3.999999910e-02, v11;
	v13 =	vsub.s32 v15, v13  }
0x51: {  	v22 =	vmulhi.u32 $0xAAAAAAAB, v12  }
0x52: {  	s16 =	simm.s32 $0x2090;
	v11 =	vld [tilespmem:s15+$0x0];
	v16 =	vsub.f32 v19, v21  }
0x53: {  	s17 =	simm.s32 $0x3090;
	s19 =	simm.s32 $0x40;
	v15 =	vld.idx.msk [tilespmem:v20+s10+$0x0], $0xffff;
	v19 =	vshrl.u32 v22, $0x4;
	[tilespmem:s16+$0x0] =	vst v21  }
.LBB2_4:
0x54: {  	v20 =	vadd.s32 s19, v4;
	v18 =	vsub.f32 v18, v14;
	v14 =	vld.idx.msk [tilespmem:v17+s10+$0x0], $0xffff;
	v19 =	vmul.u32 $0x18, v19;
	[tilespmem:s17+$0x0] =	vst v16;
	p0 =	sne.s32 s19, $0xFE0  }
.Ltmp1:
0x55: {  	v17 =	vadd.s32 s19, v5;
	[tilespmem:v13+s11+$0x0] =	vst.idx.add.f32.msk $0xffff, v16;
	(pc) =	sbr.rel @p0 .LBB2_4-.Ltmp1, $4  }
0x56: {  	v21 =	vmul.f32 $3.999999910e-02, v18;
	v13 =	vsub.s32 v12, v19;
	v12 =	vor.u32 s18, v0;
	s18 =	smov.u32 s19;
	s19 =	sadd.s32 $0x10, s19  }
0x57: {  	s15 =	sadd.s32 $0x10, s15;
	v19 =	vmulhi.u32 $0xAAAAAAAB, v12  }
0x58: {  	s16 =	sadd.s32 $0x10, s16;
	v16 =	vsub.f32 v11, v21;
	v11 =	vld [tilespmem:s15+$0x0]  }
0x59: {  	s17 =	sadd.s32 $0x10, s17;
	v18 =	vmov v15;
	v19 =	vshrl.u32 v19, $0x4;
	[tilespmem:s16+$0x0] =	vst v21;
	v15 =	vld.idx.msk [tilespmem:v20+s10+$0x0], $0xffff  }
0x5a: {  	_ =	sdelay $0x3  }
0x5b: {  	v17 =	vld.idx.msk [tilespmem:v17+s10+$0x0], $0xffff  }
0x5c: {  	v20 =	vor.u32 s18, v0  }
0x5d: {  	v14 =	vsub.f32 v18, v14;
	v18 =	vmul.u32 $0x18, v19;
	v19 =	vmulhi.u32 $0xAAAAAAAB, v20  }
0x5e: {  	s15 =	sadd.s32 $0x10, s15  }
0x5f: {  	v14 =	vmul.f32 $3.999999910e-02, v14;
	v12 =	vsub.s32 v12, v18;
	v18 =	vld [tilespmem:s15+$0x0];
	v19 =	vshrl.u32 v19, $0x4  }
0x60: {  	[tilespmem:s17+$0x0] =	vst v16;
	v15 =	vsub.f32 v15, v17;
	v17 =	vmul.u32 $0x18, v19  }
0x61: {  	s23 =	sadd.s32 $0x10, s16;
	[tilespmem:v13+s11+$0x0] =	vst.idx.add.f32.msk $0xffff, v16;
	v11 =	vsub.f32 v11, v14  }
0x62: {  	s24 =	sadd.s32 $0x10, s17;
	[tilespmem:s23+$0x0] =	vst v14;
	v13 =	vmul.f32 $3.999999910e-02, v15;
	v14 =	vsub.s32 v20, v17  }
0x63: {  	[tilespmem:s24+$0x0] =	vst v11  }
0x64: {  	s15 =	sadd.s32 $0x10, s23;
	[tilespmem:v12+s11+$0x0] =	vst.idx.add.f32.msk $0xffff, v11;
	v11 =	vsub.f32 v18, v13  }
0x65: {  	s25 =	sadd.s32 $0x10, s24;
	[tilespmem:s15+$0x0] =	vst v13  }
0x66: {  	[tilespmem:s25+$0x0] =	vst v11  }
0x67: {  	[tilespmem:v14+s11+$0x0] =	vst.idx.add.f32.msk $0xffff, v11  }
0x68: {  	v11 =	vld.idx.msk [tilespmem:v4+s10+$0x0], $0xffff  }
0x69: {  	v12 =	vld.idx.msk [tilespmem:v5+s10+$0x0], $0xffff;
	_ =	sdelay $0x3  }
0x6a: {  	v13 =	vld [tilespmem:$0x0]  }
0x6b: {  	v11 =	vsub.f32 v11, v12;
	_ =	sdelay $0x1  }
0x6c: {  	v11 =	vmul.f32 v11, v3;
	_ =	sdelay $0x1  }
0x6d: {  	v12 =	vsub.f32 v13, v11  }
0x6e: {  	[tilespmem:$0x2080] =	vst v11  }
0x6f: {  	[tilespmem:$0x3080] =	vst v12  }
0x70: {  	[tilespmem:v0+s11+$0x0] =	vst.idx.add.f32.msk $0xffff, v12  }
0x71: {  	v11 =	vld.idx.msk [tilespmem:v6+s10+$0x0], $0xffff  }
0x72: {  	v12 =	vld.idx.msk [tilespmem:v8+s10+$0x0], $0xffff;
	_ =	sdelay $0x3  }
0x73: {  	v13 =	vld [tilespmem:$0xFF0]  }
0x74: {  	v11 =	vsub.f32 v11, v12;
	_ =	sdelay $0x1  }
0x75: {  	v11 =	vmul.f32 v11, v7;
	_ =	sdelay $0x1  }
0x76: {  	v12 =	vsub.f32 v13, v11  }
0x77: {  	[tilespmem:$0x3070] =	vst v11  }
0x78: {  	s26 =	sadd.s32 $0x0, s3;
	[tilespmem:$0x4070] =	vst v12  }
0x79: {  	v11 =	vor.u32 s26, v0;
	[tilespmem:v0+s11+$0x0] =	vst.idx.add.f32.msk $0xffff, v12  }
0x7a: {  	v13 =	vmulhi.u32 $0xAAAAAAAB, v11;
	v12 =	vld [tilespmem:$0x4100]  }
0x7b: {  	v14 =	vld [tilespmem:$0x4110]  }
0x7c: {  	v13 =	vshrl.u32 v13, $0x4  }
0x7d: {  	s28 =	sadd.s32 $0x10, s3;
	v13 =	vmul.u32 $0x18, v13  }
0x7e: {  	v15 =	vor.u32 s28, v0  }
0x7f: {  	s29 =	simm.s32 $0x0;
	v11 =	vsub.s32 v11, v13;
	v13 =	vmulhi.u32 $0xAAAAAAAB, v15;
	v12 =	vmul.f32 $5.847953260e-03, v12  }
0x80: {  	v16 =	vmov s29;
	v14 =	vmul.f32 $5.882353060e-03, v14  }
0x81: {  	v13 =	vshrl.u32 v13, $0x4;
	[tilespmem:$0x4080] =	vst v12;
	v12 =	vmul.u32 $0x3, v16  }
0x82: {  	v13 =	vmul.u32 $0x18, v13;
	[tilespmem:$0x4090] =	vst v14  }
0x83: {  	s30 =	sadd.s32 $0x20, s3;
	v20 =	vld [tilespmem:s7+$0x0];
	v19 =	vbroadcast v12, $0x0  }
0x84: {  	s31 =	simm.s32 $0x10;
	v14 =	vor.u32 s30, v0;
	v17 =	vsub.s32 v15, v13;
	v11 =	vld.idx.msk [tilespmem:v11+s12+$0x0], $0xffff  }
0x85: {  	v21 =	vmulhi.u32 $0xAAAAAAAB, v14;
	v16 =	vld [tilespmem:s8+$0x0];
	v12 =	vmov s31;
	v18 =	vadd.s32 v2, v19  }
0x86: {  	v22 =	vmul.u32 $0x3, v12;
	v12 =	vadd.s32 v9, v19  }
0x87: {  	s16 =	sadd.s32 $0x10, s7;
	v13 =	vshrl.u32 v21, $0x4;
	v15 =	vadd.s32 v10, v19  }
0x88: {  	s17 =	simm.s32 $0x20;
	s18 =	simm.s32 $0x30;
	s15 =	sadd.s32 $0x10, s8;
	v21 =	vmul.u32 $0x18, v13;
	v13 =	vld [tilespmem:s16+$0x0];
	v19 =	vbroadcast v22, $0x0  }
.LBB2_6:
0x89: {  	s19 =	sadd.s32 s18, s3  }
0x8a: {  	p0 =	sne.s32 s18, $0x7F0;
	[tilespmem:v18+s13+$0x0] =	vst.idx.msk $0xffff, v20;
	v20 =	vsub.f32 v16, v11;
	v22 =	vmov v11;
	v11 =	vld.idx.msk [tilespmem:v17+s12+$0x0], $0xffff;
	s20 =	smov.u32 s18;
	s18 =	sadd.s32 $0x10, s18  }
.Ltmp2:
0x8b: {  	v17 =	vsub.s32 v14, v21;
	v14 =	vor.u32 s19, v0;
	v16 =	vld [tilespmem:s15+$0x0];
	v18 =	vadd.s32 v2, v19;
	[tilespmem:v12+s13+$0x0] =	vst.idx.msk $0xffff, v22;
	(pc) =	sbr.rel @p0 .LBB2_6-.Ltmp2, $4  }
0x8c: {  	v22 =	vmov s17;
	v12 =	vadd.s32 v9, v19;
	s17 =	smov.u32 s20;
	v21 =	vmulhi.u32 $0xAAAAAAAB, v14;
	[tilespmem:v15+s13+$0x0] =	vst.idx.msk $0xffff, v20  }
0x8d: {  	v22 =	vmul.u32 $0x3, v22;
	v15 =	vadd.s32 v10, v19  }
0x8e: {  	s16 =	sadd.s32 $0x10, s16;
	v19 =	vshrl.u32 v21, $0x4;
	v20 =	vmov v13  }
0x8f: {  	s15 =	sadd.s32 $0x10, s15;
	v21 =	vmul.u32 $0x18, v19;
	v13 =	vld [tilespmem:s16+$0x0];
	v19 =	vbroadcast v22, $0x0  }
0x90: {  	_ =	sdelay $0x2  }
0x91: {  	v58 =	vmov s17;
	v14 =	vsub.s32 v14, v21  }
0x92: {  	v17 =	vld.idx.msk [tilespmem:v17+s12+$0x0], $0xffff;
	v21 =	vmul.u32 $0x3, v58  }
0x93: {  	v22 =	vld [tilespmem:s15+$0x0];
	s16 =	sadd.s32 $0x10, s16;
	v23 =	vadd.s32 v2, v19  }
0x94: {  	[tilespmem:v18+s13+$0x0] =	vst.idx.msk $0xffff, v20;
	s31 =	sadd.s32 $0x10, s15;
	v24 =	vadd.s32 v9, v19;
	v25 =	vld [tilespmem:s16+$0x0];
	v21 =	vbroadcast v21, $0x0  }
0x95: {  	v16 =	vsub.f32 v16, v11;
	v59 =	vadd.s32 v10, v19;
	[tilespmem:v12+s13+$0x0] =	vst.idx.msk $0xffff, v11;
	v11 =	vld [tilespmem:s31+$0x0]  }
0x96: {  	v60 =	vadd.s32 v2, v21;
	v14 =	vld.idx.msk [tilespmem:v14+s12+$0x0], $0xffff  }
0x97: {  	[tilespmem:v15+s13+$0x0] =	vst.idx.msk $0xffff, v16;
	v61 =	vadd.s32 v9, v21  }
0x98: {  	v62 =	vsub.f32 v22, v17;
	v63 =	vadd.s32 v10, v21;
	[tilespmem:v23+s13+$0x0] =	vst.idx.msk $0xffff, v13  }
0x99: {  	[tilespmem:v24+s13+$0x0] =	vst.idx.msk $0xffff, v17  }
0x9a: {  	[tilespmem:v59+s13+$0x0] =	vst.idx.msk $0xffff, v62  }
0x9b: {  	s14 =	sadd.s32 $0x1, s14;
	[tilespmem:v60+s13+$0x0] =	vst.idx.msk $0xffff, v25;
	v11 =	vsub.f32 v11, v14  }
0x9c: {  	p0 =	sne.s32 s14, s6;
	[tilespmem:v61+s13+$0x0] =	vst.idx.msk $0xffff, v14  }
.Ltmp3:
0x9d: {  	[tilespmem:v63+s13+$0x0] =	vst.idx.msk $0xffff, v11;
	(pc) =	sbr.rel @p0 .LBB2_1-.Ltmp3, $4  }
0x9e: {  	[hbm4b:s5+s1] =	stream.linear.scatter [tilespmem:s13], [sflag:$0x1], $0x1800, $0x38;
	[tilespmem:$0x5980] =	vst v63  }
0x9f: {  	_ =	swait.ge [sflag:s9], $0x1800  }
0xa0: {  	[sflag:s9] =	ssyncset.done $0x0  }
0xa1: {  	[sflag:s9] =	ssyncadd.s32 $0xFFFFE800  }
0xa2: {  	_ =	sfence.sel $0x180000  }
0xa3: {  	[bflag:$0x0] =	sbarrier.arrive $0xFFFF  }
0xa4: {  	p0 =	sne.s32 s2, $0x0;
	_ =	strace $0x90000047  }
0xa5: {  	s0 =	sadd.s32 @!p0 $0x100000, s0;
	[bflag:$0x2] =	sbarrier.arrive $0xFFFF  }
0xa6: {  	[sflag:s0] =	ssyncadd.tile.s32 @!p0 $0x1;
	_ =	shalt  }
.Lfunc_end2:
_tile_overlayer_lowered:
.L_overlay_start_2:
0xa7: {  	(tag) =	ssettag $0x2  }
0xa8: {  	s0 =	rddreg [dreg:$0x0];
	s2 =	stileid.u32  }
0xa9: {  	s1 =	rddreg [dreg:$0x1];
	p0 =	sne.s32 s2, $0x0  }
0xaa: {  	s3 =	rddreg [dreg:$0x2];
	[bflag:$0x3] =	sbarrier.arrive $0xFFFF;
	s2 =	simm.s32 @!p0 $0x1C01  }
0xab: {  	[timem:s3], [sflag:s2] =	dma.local @!p0 [hbm:s0], s1  }
0xac: {  	s0 =	simm.s32 @!p0 $0x1  }
0xad: {  	_ =	swait.ge @!p0 [sflag:s0], s1  }
0xae: {  	s1 =	ssub.s32 @!p0 $0x0, s1;
	[sflag:s0] =	ssyncset.done @!p0 $0x0  }
0xaf: {  	[sflag:s0] =	ssyncadd.s32 @!p0 s1  }
0xb0: {  	[bflag:$0x3] =	sbarrier.arrive $0xFFFF  }
0xb1: {  	_ =	shalt  }

</sc_bundles>
